<compile_context>
chip_gen: v7x
topology: tpu7x:2x2x1
jax: 0.10.2.dev20260603
libtpu: 0.0.44.dev20260713+nightly
codegen_flags: <defaults>
</compile_context>

<pallas_src>
import functools

import jax
import jax.numpy as jnp
from jax import lax
from jax.experimental import pallas as pl
from jax.experimental.pallas import tpu as pltpu
from jax.experimental.pallas import tpu_sc as plsc

N = 10000
D = 128
E = 320000
DP = 144
NC = 2
NS = 16
NW = NC * NS
EPW = E // NW
K = 80
NCH = EPW // K
IB = 25
NBLK = NCH // IB
RPS = N // NS
ZR = 25


def _stage1_body(x_ref, w_ref, a_ref, whx_ref, s_ref, d_ref):
    x = x_ref[...]
    w = w_ref[...]
    av = a_ref[...]
    wh = lax.dot_general(x, w, (((1,), (1,)), ((), ())),
                         preferred_element_type=jnp.float32)
    ones = jnp.ones((N, 1), jnp.float32)
    pad = jnp.zeros((N, DP - D - 1), jnp.float32)
    whx_ref[...] = jnp.concatenate([wh, ones, pad], axis=1)
    a_src = av[0, :D]
    a_dst = av[0, D:]
    s_ref[...] = jnp.sum(wh * a_src[None, :], axis=1)
    d_ref[...] = jnp.sum(wh * a_dst[None, :], axis=1)


def _stage1(x, W, a):
    return pl.pallas_call(
        _stage1_body,
        out_shape=[
            jax.ShapeDtypeStruct((N, DP), jnp.float32),
            jax.ShapeDtypeStruct((N,), jnp.float32),
            jax.ShapeDtypeStruct((N,), jnp.float32),
        ],
    )(x, W, a)


def _sc_body(s_hbm, d_hbm, src_hbm, dst_hbm, whx_hbm, out_hbm,
             sib, dib, wc, sbufs, dbufs, rowsb, sv, dv, acc,
             rsem, ssem, dsem, csem):
    cid = lax.axis_index("c")
    sid = lax.axis_index("s")
    wid = cid * NS + sid

    @pl.when(sid == 0)
    def _():
        pltpu.sync_copy(s_hbm, sv)
        pltpu.sync_copy(d_hbm, dv)

    def zbody(i, _):
        r = i // (DP // 16)
        c = i - r * (DP // 16)
        rowsb[0, r, pl.ds(c * 16, 16)] = jnp.zeros((16,), jnp.float32)
        return 0

    lax.fori_loop(0, ZR * (DP // 16), zbody, 0)

    def azbody(j, _):
        pltpu.sync_copy(rowsb.at[0, pl.ds(0, ZR)],
                        acc.at[pl.ds(sid * RPS + j * ZR, ZR)])
        return 0

    lax.fori_loop(0, RPS // ZR, azbody, 0)
    plsc.subcore_barrier()


    def cbody(i, _):
        b = i // IB
        j = i - b * IB
        b2 = b % 2
        p = i % 2



        @pl.when(jnp.logical_and(j == 0, b + 1 < NBLK))
        def _():
            pltpu.sync_copy(src_hbm.at[wid, pl.ds((b + 1) * IB, IB)],
                            sib.at[(b + 1) % 2])
            pltpu.sync_copy(dst_hbm.at[wid, pl.ds((b + 1) * IB, IB)],
                            dib.at[(b + 1) % 2])


        @pl.when(i + 1 < NCH)
        def _():
            i1 = i + 1
            b1 = (i1 // IB) % 2
            j1 = i1 - (i1 // IB) * IB
            pass

        def sbody(r, _):
            wspl = plsc.load_gather(wc, [jnp.zeros((16,), jnp.int32) + r])
            for c in range(DP // 16):
                rowsb[p, r, pl.ds(c * 16, 16)] = (
                    rowsb[p, r, pl.ds(c * 16, 16)] * wspl)
            return 0

        return 0

    plsc.subcore_barrier()

    pltpu.sync_copy(acc.at[pl.ds(sid * RPS, RPS)],
                    out_hbm.at[cid, pl.ds(sid * RPS, RPS)])


def _sc_edge(s, d, src, dst, whx):
    mesh = plsc.VectorSubcoreMesh(core_axis_name="c", subcore_axis_name="s")
    f = pl.kernel(
        _sc_body,
        out_type=jax.ShapeDtypeStruct((NC, N, DP), jnp.float32),
        mesh=mesh,
        compiler_params=pltpu.CompilerParams(needs_layout_passes=False,
                                             use_tc_tiling_on_sc=False),
        scratch_types=[
            pltpu.VMEM((2, IB, K), jnp.int32),
            pltpu.VMEM((2, IB, K), jnp.int32),
            pltpu.VMEM((K,), jnp.float32),
            pltpu.VMEM((2, K), jnp.float32),
            pltpu.VMEM((2, K), jnp.float32),
            pltpu.VMEM((2, K, DP), jnp.float32),
            pltpu.VMEM_SHARED((N,), jnp.float32),
            pltpu.VMEM_SHARED((N,), jnp.float32),
            pltpu.VMEM_SHARED((N, DP), jnp.float32),
            pltpu.SemaphoreType.DMA((2,)),
            pltpu.SemaphoreType.DMA((2,)),
            pltpu.SemaphoreType.DMA((2,)),
            pltpu.SemaphoreType.DMA((2,)),
        ],
    )
    return f(s, d, src, dst, whx)


_BLK = 1000


def _stage3_body(p_ref, whx_ref, o_ref):
    p = p_ref[0] + p_ref[1]
    num = p[:, :D]
    den = p[:, D:D + 1]
    wh = whx_ref[:, :D]
    safe = jnp.where(den > 0, den, 1.0)
    res = jnp.where(den > 0, num / safe, wh)
    o_ref[...] = jnp.maximum(res, 0.0)


def _stage3(parts, whx):
    return pl.pallas_call(
        _stage3_body,
        grid=(N // _BLK,),
        in_specs=[
            pl.BlockSpec((NC, _BLK, DP), lambda i: (0, i, 0)),
            pl.BlockSpec((_BLK, DP), lambda i: (i, 0)),
        ],
        out_specs=pl.BlockSpec((_BLK, D), lambda i: (i, 0)),
        out_shape=jax.ShapeDtypeStruct((N, D), jnp.float32),
    )(parts, whx)


@jax.jit
def kernel(x, edge_index, W, a):
    whx, s, d = _stage1(x, W, a)
    src = edge_index[0].reshape(NW, NCH, K)
    dst = edge_index[1].reshape(NW, NCH, K)
    parts = _sc_edge(s, d, src, dst, whx)
    return _stage3(parts, whx)

# --- scband reference (transcript-rebuilt; emitter-appended) ---
"""Pipeline reference for scband-graph-gataggregator-31413390803232 (READ-ONLY COPY).

The authoritative reference and input builder live on the scoring server;
editing this copy changes nothing except your own understanding.
"""

import jax, jax.numpy as jnp
import numpy as np

N_NODES = 10000
D = 128
N_EDGES = 320000


def setup_inputs(seed: int = 0) -> dict:
    key = jax.random.key(seed)
    k1, k2, k3, k4 = jax.random.split(key, 4)
    x = jax.random.normal(k1, (N_NODES, D), dtype=jnp.float32)
    edge_index = jax.random.randint(k2, (2, N_EDGES), 0, N_NODES, dtype=jnp.int32)
    # learned params: W (Linear hidden->hidden, no bias), attn (Linear 2*hidden -> 1, no bias)
    W = jax.random.normal(k3, (D, D), dtype=jnp.float32) * 0.05
    a = jax.random.normal(k4, (1, 2 * D), dtype=jnp.float32) * 0.05
    return {"x": x, "edge_index": edge_index, "W": W, "a": a}


def reference(x, edge_index, W, a):
    # Wh[u] = W @ h_u  (torch Linear: h @ W.T)
    Wh = x @ W.T  # [N, D]
    src = edge_index[0]  # central node u (has outgoing edges)
    dst = edge_index[1]  # neighbor v
    a_src = a[0, :D]
    a_dst = a[0, D:]
    # e_uv = leaky_relu(attn(concat(Wh_u, Wh_v)))
    e = Wh[src] @ a_src + Wh[dst] @ a_dst  # [E]
    e = jnp.where(e > 0, e, 0.2 * e)
    # segment softmax over each node's outgoing edges
    m = jax.ops.segment_max(e, src, num_segments=N_NODES)
    m = jnp.where(jnp.isfinite(m), m, 0.0)
    ex = jnp.exp(e - m[src])
    denom = jax.ops.segment_sum(ex, src, num_segments=N_NODES)
    alpha = ex / denom[src]
    h_neigh = jax.ops.segment_sum(alpha[:, None] * Wh[dst], src, num_segments=N_NODES)
    deg = jax.ops.segment_sum(jnp.ones_like(e), src, num_segments=N_NODES)
    # nodes with no outgoing edges keep relu(Wh_u)
    out = jnp.where((deg > 0)[:, None], h_neigh, Wh)
    return jax.nn.relu(out)

if __name__ == "__main__":
    import jax
    _d = setup_inputs()
    print(jax.jit(kernel)(*tuple(_d.values())))

</pallas_src>

<mosaic_0001>
#map = affine_map<(d0, d1) -> (0)>
#map1 = affine_map<(d0, d1) -> (0, 0, 0)>
#map2 = affine_map<(d0, d1) -> (0, 0)>
module attributes {stable_mosaic.version = 14 : i64} {
  func.func @_sc_body(%arg0: i32, %arg1: i32, %arg2: memref<10000xf32, #tpu.memory_space<hbm>>, %arg3: memref<10000xf32, #tpu.memory_space<hbm>>, %arg4: memref<32x125x80xi32, #tpu.memory_space<hbm>>, %arg5: memref<32x125x80xi32, #tpu.memory_space<hbm>>, %arg6: memref<10000x144xf32, #tpu.memory_space<hbm>>, %arg7: memref<2x10000x144xf32, #tpu.memory_space<hbm>>, %arg8: memref<2x25x80xi32, #tpu.memory_space<vmem>>, %arg9: memref<2x25x80xi32, #tpu.memory_space<vmem>>, %arg10: memref<80xf32, #tpu.memory_space<vmem>>, %arg11: memref<2x80xf32, #tpu.memory_space<vmem>>, %arg12: memref<2x80xf32, #tpu.memory_space<vmem>>, %arg13: memref<2x80x144xf32, #tpu.memory_space<vmem>>, %arg14: memref<10000xf32, #tpu.memory_space<vmem_shared>>, %arg15: memref<10000xf32, #tpu.memory_space<vmem_shared>>, %arg16: memref<10000x144xf32, #tpu.memory_space<vmem_shared>>, %arg17: memref<2x!tpu.dma_semaphore, #tpu.memory_space<semaphore_mem>>, %arg18: memref<2x!tpu.dma_semaphore, #tpu.memory_space<semaphore_mem>>, %arg19: memref<2x!tpu.dma_semaphore, #tpu.memory_space<semaphore_mem>>, %arg20: memref<2x!tpu.dma_semaphore, #tpu.memory_space<semaphore_mem>>) attributes {dimension_semantics = [#tpu.dimension_semantics<core_parallel>, #tpu.dimension_semantics<subcore_parallel>], iteration_bounds = array<i64: 2, 16>, scalar_prefetch = 0 : i64, scratch_operands = 13 : i64, tpu.core_type = #tpu.core_type<sc_vector_subcore>, window_params = [{transform_indices = #map}, {transform_indices = #map}, {transform_indices = #map1}, {transform_indices = #map1}, {transform_indices = #map2}, {transform_indices = #map1}]} {
    %mul3A = arith.constant 16 : i32
    %mul3A_0 = arith.muli %arg0, %mul3A : i32
    %add3A = arith.addi %mul3A_0, %arg1 : i32
    %eq3A = arith.constant 0 : i32
    %eq3A_1 = arith.cmpi eq, %arg1, %eq3A : i32
    %convert_element_type3A = arith.extui %eq3A_1 : i1 to i32
    %cond3A = arith.constant 0 : i32
    %cond3A_2 = arith.cmpi ne, %convert_element_type3A, %cond3A : i32
    scf.if %cond3A_2 {
      "tpu.region"() ({
        %run_scoped3A = tpu.sem_alloc : memref<!tpu.dma_semaphore, #tpu.memory_space<semaphore_mem>>
        tpu.enqueue_dma source(%arg2 : memref<10000xf32, #tpu.memory_space<hbm>>) target(%arg14 : memref<10000xf32, #tpu.memory_space<vmem_shared>>) target_semaphore(%run_scoped3A : memref<!tpu.dma_semaphore, #tpu.memory_space<semaphore_mem>>)
        tpu.wait_dma2 semaphore(%run_scoped3A : memref<!tpu.dma_semaphore, #tpu.memory_space<semaphore_mem>>) src(%arg2 : memref<10000xf32, #tpu.memory_space<hbm>>) dst(%arg14 : memref<10000xf32, #tpu.memory_space<vmem_shared>>)
        tpu.yield
      }) : () -> ()
      "tpu.region"() ({
        %run_scoped3A = tpu.sem_alloc : memref<!tpu.dma_semaphore, #tpu.memory_space<semaphore_mem>>
        tpu.enqueue_dma source(%arg3 : memref<10000xf32, #tpu.memory_space<hbm>>) target(%arg15 : memref<10000xf32, #tpu.memory_space<vmem_shared>>) target_semaphore(%run_scoped3A : memref<!tpu.dma_semaphore, #tpu.memory_space<semaphore_mem>>)
        tpu.wait_dma2 semaphore(%run_scoped3A : memref<!tpu.dma_semaphore, #tpu.memory_space<semaphore_mem>>) src(%arg3 : memref<10000xf32, #tpu.memory_space<hbm>>) dst(%arg15 : memref<10000xf32, #tpu.memory_space<vmem_shared>>)
        tpu.yield
      }) : () -> ()
    } else {
    }
    %scan3A = arith.constant 0 : i32
    %scan3A_3 = arith.constant 0 : i32
    %scan3A_4 = arith.constant 225 : i32
    %scan3A_5 = arith.addi %scan3A_3, %scan3A_4 : i32
    %scan3A_6 = arith.constant 1 : i32
    %scan3A_7 = scf.for %scan3A_21 = %scan3A_3 to %scan3A_5 step %scan3A_6 iter_args(%scan3A_22 = %scan3A) -> (i32)  : i32 {
      %jit3A = arith.constant 9 : i32
      %div3A = arith.divsi %scan3A_21, %jit3A : i32
      %sign3A = arith.constant 0 : i32
      %sign3A_23 = arith.cmpi sgt, %scan3A_21, %sign3A : i32
      %sign3A_24 = arith.extui %sign3A_23 : i1 to i32
      %sign3A_25 = arith.constant 0 : i32
      %sign3A_26 = arith.cmpi slt, %scan3A_21, %sign3A_25 : i32
      %sign3A_27 = arith.extui %sign3A_26 : i1 to i32
      %sign3A_28 = arith.subi %sign3A_24, %sign3A_27 : i32
      %sign3A_29 = arith.constant 0 : i32
      %sign3A_30 = arith.cmpi sgt, %jit3A, %sign3A_29 : i32
      %sign3A_31 = arith.extui %sign3A_30 : i1 to i32
      %sign3A_32 = arith.constant 0 : i32
      %sign3A_33 = arith.cmpi slt, %jit3A, %sign3A_32 : i32
      %sign3A_34 = arith.extui %sign3A_33 : i1 to i32
      %sign3A_35 = arith.subi %sign3A_31, %sign3A_34 : i32
      %ne3A = arith.cmpi ne, %sign3A_28, %sign3A_35 : i32
      %rem3A = arith.remsi %scan3A_21, %jit3A : i32
      %ne3A_36 = arith.constant 0 : i32
      %ne3A_37 = arith.cmpi ne, %rem3A, %ne3A_36 : i32
      %and3A = arith.andi %ne3A, %ne3A_37 : i1
      %sub3A = arith.constant 1 : i32
      %sub3A_38 = arith.subi %div3A, %sub3A : i32
      %select_n3A = arith.select %and3A, %sub3A_38, %div3A : i32
      %mul3A_39 = arith.constant 9 : i32
      %mul3A_40 = arith.muli %select_n3A, %mul3A_39 : i32
      %sub3A_41 = arith.subi %scan3A_21, %mul3A_40 : i32
      %broadcast_in_dim3A = arith.constant 0.000000e+00 : f32
      %broadcast_in_dim3A_42 = vector.broadcast %broadcast_in_dim3A : f32 to vector<16xf32>
      %mul3A_43 = arith.constant 16 : i32
      %mul3A_44 = arith.muli %sub3A_41, %mul3A_43 : i32
      %swap3A = arith.constant 0 : i32
      %swap3A_45 = arith.index_cast %swap3A : i32 to index
      %swap3A_46 = arith.index_cast %select_n3A : i32 to index
      %swap3A_47 = arith.index_cast %mul3A_44 : i32 to index
      %swap3A_48 = tpu.vector_load %arg13[%swap3A_45, %swap3A_46, %swap3A_47] {strides = array<i32>} : memref<2x80x144xf32, #tpu.memory_space<vmem>>, vector<16xf32>,
      tpu.vector_store %arg13[%swap3A_45, %swap3A_46, %swap3A_47], %broadcast_in_dim3A_42 {strides = array<i32>} : memref<2x80x144xf32, #tpu.memory_space<vmem>>, vector<16xf32>,
      %scan3A_49 = arith.constant 0 : i32
      scf.yield %scan3A_49 : i32
    }
    %scan3A_8 = arith.constant 225 : i32
    %scan3A_9 = arith.constant 0 : i32
    %scan3A_10 = arith.constant 0 : i32
    %scan3A_11 = arith.constant 25 : i32
    %scan3A_12 = arith.addi %scan3A_10, %scan3A_11 : i32
    %scan3A_13 = arith.constant 1 : i32
    %scan3A_14 = scf.for %scan3A_21 = %scan3A_10 to %scan3A_12 step %scan3A_13 iter_args(%scan3A_22 = %scan3A_9) -> (i32)  : i32 {
      %mul3A_23 = arith.constant 625 : i32
      %mul3A_24 = arith.muli %arg1, %mul3A_23 : i32
      %mul3A_25 = arith.constant 25 : i32
      %mul3A_26 = arith.muli %scan3A_21, %mul3A_25 : i32
      %add3A_27 = arith.addi %mul3A_24, %mul3A_26 : i32
      %run_scoped3A = arith.constant 0 : i32
      "tpu.region"() ({
        %run_scoped3A_29 = tpu.sem_alloc : memref<!tpu.dma_semaphore, #tpu.memory_space<semaphore_mem>>
        %dma_start3A = arith.constant 0 : i32
        %dma_start3A_30 = arith.constant 0 : i32
        %dma_start3A_31 = tpu.memref_slice %arg13[%run_scoped3A, %dma_start3A, %dma_start3A_30] : memref<2x80x144xf32, #tpu.memory_space<vmem>> -> memref<1x25x144xf32, #tpu.memory_space<vmem>>
        %dma_start3A_32 = tpu.memref_squeeze %dma_start3A_31 : memref<1x25x144xf32, #tpu.memory_space<vmem>> -> memref<25x144xf32, #tpu.memory_space<vmem>>
        %dma_start3A_33 = arith.constant 0 : i32
        %dma_start3A_34 = tpu.memref_slice %arg16[%add3A_27, %dma_start3A_33] : memref<10000x144xf32, #tpu.memory_space<vmem_shared>> -> memref<25x144xf32, #tpu.memory_space<vmem_shared>>
        %dma_start3A_35 = arith.constant 0 : i32
        %dma_start3A_36 = tpu.memref_slice %arg16[%add3A_27, %dma_start3A_35] : memref<10000x144xf32, #tpu.memory_space<vmem_shared>> -> memref<25x144xf32, #tpu.memory_space<vmem_shared>>
        %dma_start3A_37 = arith.constant 0 : i32
        %dma_start3A_38 = arith.constant 0 : i32
        %dma_start3A_39 = tpu.memref_slice %arg13[%run_scoped3A, %dma_start3A_37, %dma_start3A_38] : memref<2x80x144xf32, #tpu.memory_space<vmem>> -> memref<1x25x144xf32, #tpu.memory_space<vmem>>
        %dma_start3A_40 = tpu.memref_squeeze %dma_start3A_39 : memref<1x25x144xf32, #tpu.memory_space<vmem>> -> memref<25x144xf32, #tpu.memory_space<vmem>>
        tpu.enqueue_dma source(%dma_start3A_40 : memref<25x144xf32, #tpu.memory_space<vmem>>) target(%dma_start3A_36 : memref<25x144xf32, #tpu.memory_space<vmem_shared>>) target_semaphore(%run_scoped3A_29 : memref<!tpu.dma_semaphore, #tpu.memory_space<semaphore_mem>>)
        %dma_wait3A = arith.constant 0 : i32
        %dma_wait3A_41 = arith.constant 0 : i32
        %dma_wait3A_42 = tpu.memref_slice %arg13[%run_scoped3A, %dma_wait3A, %dma_wait3A_41] : memref<2x80x144xf32, #tpu.memory_space<vmem>> -> memref<1x25x144xf32, #tpu.memory_space<vmem>>
        %dma_wait3A_43 = tpu.memref_squeeze %dma_wait3A_42 : memref<1x25x144xf32, #tpu.memory_space<vmem>> -> memref<25x144xf32, #tpu.memory_space<vmem>>
        %dma_wait3A_44 = arith.constant 0 : i32
        %dma_wait3A_45 = tpu.memref_slice %arg16[%add3A_27, %dma_wait3A_44] : memref<10000x144xf32, #tpu.memory_space<vmem_shared>> -> memref<25x144xf32, #tpu.memory_space<vmem_shared>>
        %dma_wait3A_46 = arith.constant 0 : i32
        %dma_wait3A_47 = tpu.memref_slice %arg16[%add3A_27, %dma_wait3A_46] : memref<10000x144xf32, #tpu.memory_space<vmem_shared>> -> memref<25x144xf32, #tpu.memory_space<vmem_shared>>
        %dma_wait3A_48 = arith.constant 0 : i32
        %dma_wait3A_49 = arith.constant 0 : i32
        %dma_wait3A_50 = tpu.memref_slice %arg13[%run_scoped3A, %dma_wait3A_48, %dma_wait3A_49] : memref<2x80x144xf32, #tpu.memory_space<vmem>> -> memref<1x25x144xf32, #tpu.memory_space<vmem>>
        %dma_wait3A_51 = tpu.memref_squeeze %dma_wait3A_50 : memref<1x25x144xf32, #tpu.memory_space<vmem>> -> memref<25x144xf32, #tpu.memory_space<vmem>>
        tpu.wait_dma2 semaphore(%run_scoped3A_29 : memref<!tpu.dma_semaphore, #tpu.memory_space<semaphore_mem>>) src(%dma_wait3A_51 : memref<25x144xf32, #tpu.memory_space<vmem>>) dst(%dma_wait3A_47 : memref<25x144xf32, #tpu.memory_space<vmem_shared>>)
        tpu.yield
      }) : () -> ()
      %scan3A_28 = arith.constant 0 : i32
      scf.yield %scan3A_28 : i32
    }
    %scan3A_15 = arith.constant 25 : i32
    %barrier3A = arith.constant 0 : index
    tpu.barrier barrier_id(%barrier3A)
    %barrier3A_16 = arith.constant 0 : index
    tpu.barrier barrier_id(%barrier3A_16)
    %mul3A_17 = arith.constant 625 : i32
    %mul3A_18 = arith.muli %arg1, %mul3A_17 : i32
    %mul3A_19 = arith.constant 625 : i32
    %mul3A_20 = arith.muli %arg1, %mul3A_19 : i32
    "tpu.region"() ({
      %run_scoped3A = tpu.sem_alloc : memref<!tpu.dma_semaphore, #tpu.memory_space<semaphore_mem>>
      %dma_start3A = arith.constant 0 : i32
      %dma_start3A_21 = tpu.memref_slice %arg7[%arg0, %mul3A_20, %dma_start3A] : memref<2x10000x144xf32, #tpu.memory_space<hbm>> -> memref<1x625x144xf32, #tpu.memory_space<hbm>>
      %dma_start3A_22 = tpu.memref_squeeze %dma_start3A_21 : memref<1x625x144xf32, #tpu.memory_space<hbm>> -> memref<625x144xf32, #tpu.memory_space<hbm>>
      %dma_start3A_23 = arith.constant 0 : i32
      %dma_start3A_24 = tpu.memref_slice %arg16[%mul3A_18, %dma_start3A_23] : memref<10000x144xf32, #tpu.memory_space<vmem_shared>> -> memref<625x144xf32, #tpu.memory_space<vmem_shared>>
      tpu.enqueue_dma source(%dma_start3A_24 : memref<625x144xf32, #tpu.memory_space<vmem_shared>>) target(%dma_start3A_22 : memref<625x144xf32, #tpu.memory_space<hbm>>) target_semaphore(%run_scoped3A : memref<!tpu.dma_semaphore, #tpu.memory_space<semaphore_mem>>)
      %dma_wait3A = arith.constant 0 : i32
      %dma_wait3A_25 = tpu.memref_slice %arg7[%arg0, %mul3A_20, %dma_wait3A] : memref<2x10000x144xf32, #tpu.memory_space<hbm>> -> memref<1x625x144xf32, #tpu.memory_space<hbm>>
      %dma_wait3A_26 = tpu.memref_squeeze %dma_wait3A_25 : memref<1x625x144xf32, #tpu.memory_space<hbm>> -> memref<625x144xf32, #tpu.memory_space<hbm>>
      %dma_wait3A_27 = arith.constant 0 : i32
      %dma_wait3A_28 = tpu.memref_slice %arg16[%mul3A_18, %dma_wait3A_27] : memref<10000x144xf32, #tpu.memory_space<vmem_shared>> -> memref<625x144xf32, #tpu.memory_space<vmem_shared>>
      tpu.wait_dma2 semaphore(%run_scoped3A : memref<!tpu.dma_semaphore, #tpu.memory_space<semaphore_mem>>) src(%dma_wait3A_28 : memref<625x144xf32, #tpu.memory_space<vmem_shared>>) dst(%dma_wait3A_26 : memref<625x144xf32, #tpu.memory_space<hbm>>)
      tpu.yield
    }) : () -> ()
    return
  }
}

module attributes {stable_mosaic.version = 14 : i64} {
  func.func @_stage1_body(%arg0: memref<10000x128xf32, #tpu.memory_space<vmem>>, %arg1: memref<128x128xf32, #tpu.memory_space<vmem>>, %arg2: memref<1x256xf32, #tpu.memory_space<vmem>>, %arg3: memref<10000x144xf32, #tpu.memory_space<vmem>>, %arg4: memref<10000xf32, #tpu.memory_space<vmem>>, %arg5: memref<10000xf32, #tpu.memory_space<vmem>>) attributes {dimension_semantics = [], scalar_prefetch = 0 : i64, scratch_operands = 0 : i64, tpu.core_type = #tpu.core_type<tc>} {
    %get3A = arith.constant 0 : index
    %get3A_0 = arith.constant 0 : index
    %get3A_1 = vector.load %arg0[%get3A, %get3A_0] : memref<10000x128xf32, #tpu.memory_space<vmem>>, vector<10000x128xf32>
    %get3A_2 = arith.constant 0 : index
    %get3A_3 = arith.constant 0 : index
    %get3A_4 = vector.load %arg1[%get3A_2, %get3A_3] : memref<128x128xf32, #tpu.memory_space<vmem>>, vector<128x128xf32>
    %get3A_5 = arith.constant 0 : index
    %get3A_6 = arith.constant 0 : index
    %get3A_7 = vector.load %arg2[%get3A_5, %get3A_6] : memref<1x256xf32, #tpu.memory_space<vmem>>, vector<1x256xf32>
    %dot_general3A = arith.constant dense<0.000000e+00> : vector<10000x128xf32>
    %dot_general3A_8 = tpu.matmul %get3A_1, %get3A_4, %dot_general3A {dimension_numbers = #tpu.dot_dimension_numbers<[1], [1], [0], [0], [0, 0, 1, 0], [], []>, transpose_lhs_hint = false} : vector<10000x128xf32>, vector<128x128xf32>, vector<10000x128xf32> -> vector<10000x128xf32>
    %broadcast_in_dim3A = arith.constant 1.000000e+00 : f32
    %broadcast_in_dim3A_9 = vector.broadcast %broadcast_in_dim3A : f32 to vector<10000x1xf32>
    %broadcast_in_dim3A_10 = arith.constant 0.000000e+00 : f32
    %broadcast_in_dim3A_11 = vector.broadcast %broadcast_in_dim3A_10 : f32 to vector<10000x15xf32>
    %concatenate3A = tpu.concatenate %dot_general3A_8, %broadcast_in_dim3A_9, %broadcast_in_dim3A_11 in 1 : vector<10000x128xf32>, vector<10000x1xf32>, vector<10000x15xf32> -> vector<10000x144xf32>
    %swap3A = arith.constant 0 : index
    %swap3A_12 = arith.constant 0 : index
    %swap3A_13 = vector.load %arg3[%swap3A, %swap3A_12] : memref<10000x144xf32, #tpu.memory_space<vmem>>, vector<10000x144xf32>
    tpu.vector_store %arg3[%swap3A, %swap3A_12], %concatenate3A {strides = array<i32>} : memref<10000x144xf32, #tpu.memory_space<vmem>>, vector<10000x144xf32>,
    %slice3A = vector.extract_strided_slice %get3A_7 {offsets = [0, 0], sizes = [1, 128], strides = [1, 1]} : vector<1x256xf32> to vector<1x128xf32>
    %squeeze3A = vector.shape_cast %slice3A : vector<1x128xf32> to vector<128xf32>
    %slice3A_14 = vector.extract_strided_slice %get3A_7 {offsets = [0, 128], sizes = [1, 128], strides = [1, 1]} : vector<1x256xf32> to vector<1x128xf32>
    %squeeze3A_15 = vector.shape_cast %slice3A_14 : vector<1x128xf32> to vector<128xf32>
    %broadcast_in_dim3A_16 = vector.shape_cast %squeeze3A : vector<128xf32> to vector<1x128xf32>
    %mul3A = vector.broadcast %broadcast_in_dim3A_16 : vector<1x128xf32> to vector<10000x128xf32>
    %mul3A_17 = arith.mulf %dot_general3A_8, %mul3A : vector<10000x128xf32>
    %reduce_sum3A = arith.constant dense<0.000000e+00> : vector<10000xf32>
    %reduce_sum3A_18 = vector.multi_reduction <add>, %mul3A_17, %reduce_sum3A [1] : vector<10000x128xf32> to vector<10000xf32>
    %swap3A_19 = arith.constant 0 : index
    %swap3A_20 = vector.load %arg4[%swap3A_19] : memref<10000xf32, #tpu.memory_space<vmem>>, vector<10000xf32>
    tpu.vector_store %arg4[%swap3A_19], %reduce_sum3A_18 {strides = array<i32>} : memref<10000xf32, #tpu.memory_space<vmem>>, vector<10000xf32>,
    %broadcast_in_dim3A_21 = vector.shape_cast %squeeze3A_15 : vector<128xf32> to vector<1x128xf32>
    %mul3A_22 = vector.broadcast %broadcast_in_dim3A_21 : vector<1x128xf32> to vector<10000x128xf32>
    %mul3A_23 = arith.mulf %dot_general3A_8, %mul3A_22 : vector<10000x128xf32>
    %reduce_sum3A_24 = arith.constant dense<0.000000e+00> : vector<10000xf32>
    %reduce_sum3A_25 = vector.multi_reduction <add>, %mul3A_23, %reduce_sum3A_24 [1] : vector<10000x128xf32> to vector<10000xf32>
    %swap3A_26 = arith.constant 0 : index
    %swap3A_27 = vector.load %arg5[%swap3A_26] : memref<10000xf32, #tpu.memory_space<vmem>>, vector<10000xf32>
    tpu.vector_store %arg5[%swap3A_26], %reduce_sum3A_25 {strides = array<i32>} : memref<10000xf32, #tpu.memory_space<vmem>>, vector<10000xf32>,
    return
  }
}

module attributes {stable_mosaic.version = 14 : i64} {
  func.func @_stage3_body(%arg0: i32, %arg1: memref<2x1000x144xf32, #tpu.memory_space<vmem>>, %arg2: memref<1000x144xf32, #tpu.memory_space<vmem>>, %arg3: memref<1000x128xf32, #tpu.memory_space<vmem>>) attributes {dimension_semantics = [#tpu.dimension_semantics<arbitrary>], iteration_bounds = array<i64: 10>, scalar_prefetch = 0 : i64, scratch_operands = 0 : i64, tpu.core_type = #tpu.core_type<tc>, window_params = [{transform_indices = @transform_0, window_bounds = array<i64: 2, 1000, 144>}, {transform_indices = @transform_1, window_bounds = array<i64: 1000, 144>}, {transform_indices = @transform_2, window_bounds = array<i64: 1000, 128>}]} {
    %get3A = arith.constant 0 : index
    %get3A_0 = arith.constant 0 : index
    %get3A_1 = arith.constant 0 : index
    %get3A_2 = vector.load %arg1[%get3A, %get3A_0, %get3A_1] : memref<2x1000x144xf32, #tpu.memory_space<vmem>>, vector<1x1000x144xf32>
    %get3A_3 = vector.shape_cast %get3A_2 : vector<1x1000x144xf32> to vector<1000x144xf32>
    %get3A_4 = arith.constant 1 : index
    %get3A_5 = arith.constant 0 : index
    %get3A_6 = arith.constant 0 : index
    %get3A_7 = vector.load %arg1[%get3A_4, %get3A_5, %get3A_6] : memref<2x1000x144xf32, #tpu.memory_space<vmem>>, vector<1x1000x144xf32>
    %get3A_8 = vector.shape_cast %get3A_7 : vector<1x1000x144xf32> to vector<1000x144xf32>
    %add3A = arith.addf %get3A_3, %get3A_8 : vector<1000x144xf32>
    %slice3A = vector.extract_strided_slice %add3A {offsets = [0, 0], sizes = [1000, 128], strides = [1, 1]} : vector<1000x144xf32> to vector<1000x128xf32>
    %slice3A_9 = vector.extract_strided_slice %add3A {offsets = [0, 128], sizes = [1000, 1], strides = [1, 1]} : vector<1000x144xf32> to vector<1000x1xf32>
    %get3A_10 = arith.constant 0 : index
    %get3A_11 = arith.constant 0 : index
    %get3A_12 = vector.load %arg2[%get3A_10, %get3A_11] : memref<1000x144xf32, #tpu.memory_space<vmem>>, vector<1000x128xf32>
    %gt3A = arith.constant 0.000000e+00 : f32
    %gt3A_13 = vector.broadcast %gt3A : f32 to vector<1000x1xf32>
    %gt3A_14 = arith.cmpf ogt, %slice3A_9, %gt3A_13 : vector<1000x1xf32>
    %jit3A = arith.constant 1.000000e+00 : f32
    %broadcast_in_dim3A = vector.broadcast %jit3A : f32 to vector<1000x1xf32>
    %select_n3A = arith.select %gt3A_14, %slice3A_9, %broadcast_in_dim3A : vector<1000x1xi1>, vector<1000x1xf32>
    %gt3A_15 = arith.constant 0.000000e+00 : f32
    %gt3A_16 = vector.broadcast %gt3A_15 : f32 to vector<1000x1xf32>
    %gt3A_17 = arith.cmpf ogt, %slice3A_9, %gt3A_16 : vector<1000x1xf32>
    %div3A = vector.broadcast %select_n3A : vector<1000x1xf32> to vector<1000x128xf32>
    %div3A_18 = arith.divf %slice3A, %div3A : vector<1000x128xf32>
    %broadcast_in_dim3A_19 = vector.shape_cast %gt3A_17 : vector<1000x1xi1> to vector<1000x1xi1>
    %broadcast_in_dim3A_20 = vector.broadcast %broadcast_in_dim3A_19 : vector<1000x1xi1> to vector<1000x128xi1>
    %select_n3A_21 = arith.select %broadcast_in_dim3A_20, %div3A_18, %get3A_12 : vector<1000x128xi1>, vector<1000x128xf32>
    %max3A = arith.constant 0.000000e+00 : f32
    %max3A_22 = vector.broadcast %max3A : f32 to vector<1000x128xf32>
    %max3A_23 = arith.maximumf %select_n3A_21, %max3A_22 : vector<1000x128xf32>
    %swap3A = arith.constant 0 : index
    %swap3A_24 = arith.constant 0 : index
    %swap3A_25 = vector.load %arg3[%swap3A, %swap3A_24] : memref<1000x128xf32, #tpu.memory_space<vmem>>, vector<1000x128xf32>
    tpu.vector_store %arg3[%swap3A, %swap3A_24], %max3A_23 {strides = array<i32>} : memref<1000x128xf32, #tpu.memory_space<vmem>>, vector<1000x128xf32>,
    return
  }
  func.func @transform_0(%arg0: i32) -> (i32, i32, i32) {
    %c0_i32 = arith.constant 0 : i32
    %c0_i32_0 = arith.constant 0 : i32
    %c0_i32_1 = arith.constant 0 : i32
    return %c0_i32, %arg0, %c0_i32_0 : i32, i32, i32
  }
  func.func @transform_1(%arg0: i32) -> (i32, i32) {
    %c0_i32 = arith.constant 0 : i32
    %c0_i32_0 = arith.constant 0 : i32
    return %arg0, %c0_i32 : i32, i32
  }
  func.func @transform_2(%arg0: i32) -> (i32, i32) {
    %c0_i32 = arith.constant 0 : i32
    %c0_i32_0 = arith.constant 0 : i32
    return %arg0, %c0_i32 : i32, i32
  }
}

</mosaic_0001>

<sc_bundles>
// kernel: kernel.5.cloned.1.call-start
scs
__scs_entry_jumppad:
0x0: {  	(pc) =	sbr.rel $0x88, $3  }
0x1: {  	(tag) =	ssettag $0x0;
	lr =	simm.s32 $0x1  }
0x2: {  	[smem:$0x3F9D] =	sst lr;
	_ =	strace $0xD0000000  }
0x3: {  	_ = 	snop  }
0x4: {  	_ = 	snop  }
0x5: {  	_ = 	snop  }
0x6: {  	_ = 	snop  }
0x7: {  	_ = 	snop  }
__scs_overlays_trampoline_lowered:
0x8: {  	[smem:$0x3FAC] =	sst s0  }
0x9: {  	[smem:$0x3FAD] =	sst s1  }
0xa: {  	[smem:$0x3FAE] =	sst s2  }
0xb: {  	[smem:$0x3FAF] =	sst s3  }
0xc: {  	[smem:$0x3FB0] =	sst s4  }
0xd: {  	[smem:$0x3FB1] =	sst s5  }
0xe: {  	[smem:$0x3FB2] =	sst s6  }
0xf: {  	[smem:$0x3FB3] =	sst s7  }
0x10: {  	[smem:$0x3FB4] =	sst s8  }
0x11: {  	[smem:$0x3FB5] =	sst s9;
	s0 =	simm.s32 @!p0 $0x0  }
0x12: {  	s1 =	sld [smem:$0x3F9B];
	s0 =	simm.s32 @p0 $0x1  }
0x13: {  	[smem:$0x3FB6] =	sst s0;
	s0 =	simm.s32 @!p1 $0x0  }
0x14: {  	s2 =	sld [smem:$0x3F9A];
	s0 =	simm.s32 @p1 $0x1  }
0x15: {  	[smem:$0x3FB7] =	sst s0;
	s0 =	simm.s32 @!p2 $0x0  }
0x16: {  	s3 =	sld [smem:$0x3FDB];
	s0 =	simm.s32 @p2 $0x1  }
0x17: {  	s4 =	simm.s32 $0x1BF5;
	[smem:$0x3FB9] =	sst s0  }
0x18: {  	s0 =	sld [smem:$0x3F9C];
	_ =	swait.ge [sflag:s4], $0x0  }
0x19: {  	s7 =	sld [smem:$0x3F9D]  }
0x1a: {  	s8 =	sadd.s32 $0xFFFFE003, lr  }
0x1b: {  	s9 =	sadd.s32 $0xFFFFFEF7, lr;
	s5 =	simm.s32 $0xFFFFFFFF;
	p2 =	slt.u32 s8, $0xFFFFF086  }
0x1c: {  	p1 =	slt.u32 s9, $0xF7A;
	s5 =	simm.s32 @!p2 $0x0  }
0x1d: {  	s5 =	simm.s32 @p1 $0x1;
	p0 =	seq.s32 s7, s2  }
0x1e: {  	s7 =	smul.u32 @!p0 $0xF7A, s2;
	p2 =	seq.s32 @!p0 s5, $0x0  }
0x1f: {  	s9 =	smul.u32 $0xF7A, s1;
	s8 =	simm.s32 @!p0 $0x1BF5;
	p2 =	por !p2, p0  }
0x20: {  	[sflag:s8] =	ssyncset.s32 @!p0 $0xFFFFF086;
	s6 =	sadd.s32 @!p0 s3, s7;
	s7 =	simm.s32 @!p0 $0x108  }
0x21: {  	s3 =	sadd.s32 s3, s9;
	s6 =	sadd.s32 @!p0 $0x88, s6;
	s7 =	simm.s32 @p2 $0x1082  }
0x22: {  	[simem:s7], [sflag:s8] =	dma.local @!p0 [hbm:s6], $0xF7A  }
0x23: {  	s9 =	sor.u32 $0xD0000000, s2;
	s6 =	simm.s32 $0x108;
	_ =	swait.ge @!p0 [sflag:s8], $0x0  }
0x24: {  	s3 =	sadd.s32 $0x88, s3;
	s6 =	simm.s32 @!p1 $0x1082;
	[sflag:s4] =	ssyncset.s32 $0xFFFFF086  }
0x25: {  	[simem:s6], [sflag:s4] =	dma.local [hbm:s3], $0xF7A  }
0x26: {  	[smem:$0x3F9D] =	sst s1;
	(tag) =	ssettag s2;
	_ =	strace s9  }
0x27: {  	s1 =	sld [smem:$0x3FAD]  }
0x28: {  	s2 =	sld [smem:$0x3FAE]  }
0x29: {  	s4 =	sld [smem:$0x3FB0]  }
0x2a: {  	p0 =	seq.s32 s5, $0x0;
	s5 =	sld [smem:$0x3FB1]  }
0x2b: {  	s6 =	sld [smem:$0x3FB2]  }
0x2c: {  	s7 =	sld [smem:$0x3FB3]  }
0x2d: {  	s3 =	simm.s32 $0x108;
	s8 =	sld [smem:$0x3FB4]  }
0x2e: {  	s3 =	simm.s32 @!p0 $0x1082;
	s9 =	sld [smem:$0x3FB5]  }
0x2f: {  	lr =	sadd.s32 s0, s3;
	s0 =	sld [smem:$0x3FAC]  }
0x30: {  	s3 =	sld [smem:$0x3FAF]  }
0x31: {  	[smem:$0x3FB8] =	sst s10  }
0x32: {  	s10 =	sld [smem:$0x3FB6];
	_ =	sdelay $0x3  }
0x33: {  	p0 =	seq.s32 s10, $0x1;
	s10 =	sld [smem:$0x3FB8];
	_ =	sdelay $0x3  }
0x34: {  	[smem:$0x3FB8] =	sst s10  }
0x35: {  	s10 =	sld [smem:$0x3FB7];
	_ =	sdelay $0x3  }
0x36: {  	p1 =	seq.s32 s10, $0x1;
	s10 =	sld [smem:$0x3FB8];
	_ =	sdelay $0x3  }
0x37: {  	[smem:$0x3FB8] =	sst s10  }
0x38: {  	s10 =	sld [smem:$0x3FB9]  }
0x39: {  	_ = 	snop;
	(pc) =	sbr.ind lr, $3  }
0x3a: {  	_ = 	snop  }
0x3b: {  	_ = 	snop  }
0x3c: {  	p2 =	seq.s32 s10, $0x1;
	s10 =	sld [smem:$0x3FB8]  }
0x3d: {  	_ =	shalt  }
0x3e: {  	_ =	shalt  }
0x3f: {  	_ =	shalt  }
0x40: {  	_ =	shalt  }
0x41: {  	_ =	shalt  }
0x42: {  	_ =	shalt  }
0x43: {  	_ =	shalt  }
0x44: {  	_ =	shalt  }
0x45: {  	_ =	shalt  }
0x46: {  	_ =	shalt  }
0x47: {  	_ =	shalt  }
0x48: {  	_ =	shalt  }
0x49: {  	_ =	shalt  }
0x4a: {  	_ =	shalt  }
0x4b: {  	_ =	shalt  }
0x4c: {  	_ =	shalt  }
0x4d: {  	_ =	shalt  }
0x4e: {  	_ =	shalt  }
0x4f: {  	_ =	shalt  }
0x50: {  	_ =	shalt  }
0x51: {  	_ =	shalt  }
0x52: {  	_ =	shalt  }
0x53: {  	_ =	shalt  }
0x54: {  	_ =	shalt  }
0x55: {  	_ =	shalt  }
0x56: {  	_ =	shalt  }
0x57: {  	_ =	shalt  }
0x58: {  	_ =	shalt  }
0x59: {  	_ =	shalt  }
0x5a: {  	_ =	shalt  }
0x5b: {  	_ =	shalt  }
0x5c: {  	_ =	shalt  }
0x5d: {  	_ =	shalt  }
0x5e: {  	_ =	shalt  }
0x5f: {  	_ =	shalt  }
0x60: {  	_ =	shalt  }
0x61: {  	_ =	shalt  }
0x62: {  	_ =	shalt  }
0x63: {  	_ =	shalt  }
0x64: {  	_ =	shalt  }
0x65: {  	_ =	shalt  }
0x66: {  	_ =	shalt  }
0x67: {  	_ =	shalt  }
0x68: {  	_ =	shalt  }
0x69: {  	_ =	shalt  }
0x6a: {  	_ =	shalt  }
0x6b: {  	_ =	shalt  }
0x6c: {  	_ =	shalt  }
0x6d: {  	_ =	shalt  }
0x6e: {  	_ =	shalt  }
0x6f: {  	_ =	shalt  }
0x70: {  	_ =	shalt  }
0x71: {  	_ =	shalt  }
0x72: {  	_ =	shalt  }
0x73: {  	_ =	shalt  }
0x74: {  	_ =	shalt  }
0x75: {  	_ =	shalt  }
0x76: {  	_ =	shalt  }
0x77: {  	_ =	shalt  }
0x78: {  	_ =	shalt  }
0x79: {  	_ =	shalt  }
0x7a: {  	_ =	shalt  }
0x7b: {  	_ =	shalt  }
0x7c: {  	_ =	shalt  }
0x7d: {  	_ =	shalt  }
0x7e: {  	_ =	shalt  }
0x7f: {  	_ =	shalt  }
0x80: {  	_ =	shalt  }
0x81: {  	_ =	shalt  }
0x82: {  	_ =	shalt  }
0x83: {  	_ =	shalt  }
0x84: {  	_ =	shalt  }
0x85: {  	_ =	shalt  }
0x86: {  	_ =	shalt  }
0x87: {  	_ =	shalt  }
.Lfunc_end0:
.L_simem_size_0:
called_computation_lowered:
.L_overlay_start_0:
0x88: {  	s2 =	sld [smem:$0x3FD9]  }
0x89: {  	s3 =	sld [smem:$0x3FFE];
	_ =	sdelay $0x1  }
0x8a: {  	s1 =	srdreg.scid  }
0x8b: {  	s0 =	sand.u32 $0x1, s1  }
0x8c: {  	s16 =	sshll.u32 s0, $0xA;
	s2 =	sadd.s32 s3, s2  }
0x8d: {  	s2 =	sadd.s32 s2, s16  }
0x8e: {  	[smem:$0x3FC4] =	sst s2  }
0x8f: {  	_ = 	snop  }
0x90: {  	(tm) =	ssettm $0x1  }
0x91: {  	s17 =	sld [smem:$0x3FFB];
	_ =	sdelay $0x3  }
0x92: {  	_ =	strace s17  }
0x93: {  	s2 =	sld [smem:$0x3FFC];
	_ =	sdelay $0x3  }
0x94: {  	_ =	strace s2  }
0x95: {  	s2 =	sld [smem:$0x3FFD];
	_ =	sdelay $0x3  }
0x96: {  	_ =	strace s2  }
0x97: {  	_ =	strace $0x8FFFFFFF  }
0x98: {  	s18 =	sld [smem:$0x3FDB];
	_ =	sdelay $0x1  }
0x99: {  	s19 =	simm.s32 $_scs_section_size  }
0x9a: {  	s4 =	simm.s32 $_size__tile_overlayer_lowered;
	s5 =	simm.s32 $_tile_overlayer_lowered  }
0x9b: {  	s22 =	simm.s32 $0x1BFF;
	s21 =	sshll.u32 s5, $0x1;
	s2 =	sadd.s32 s19, s18  }
0x9c: {  	s6 =	simm.s32 $0x0;
	s20 =	sshll.u32 s4, $0x1;
	s4 =	sadd.s32 s21, s2  }
0x9d: {  	[timem:s6], [sflag:s22] =	dma.local [hbm:s4], s20  }
0x9e: {  	_ =	swait.ge [sflag:s22], s20  }
0x9f: {  	s3 =	ssub.s32 $0x0, s20;
	[sflag:s22] =	ssyncset.done $0x0  }
0xa0: {  	[sflag:s22] =	ssyncadd.s32 s3;
	_ =	sdelay $0x1  }
0xa1: {  	s23 =	simm.s32 $0x1B8B  }
0xa2: {  	_ =	swait.ge [sflag:s23], $0x1  }
0xa3: {  	[sflag:s23] =	ssyncset.done $0x0  }
0xa4: {  	s25 =	simm.s32 $0x1B8E;
	s24 =	sld [smem:$0x3FFE];
	[sflag:s23] =	ssyncadd.s32 $0xFFFFFFFF  }
0xa5: {  	s26 =	simm.s32 $execute0_lowered;
	[smem:$0x3FD2] =	sst s25  }
0xa6: {  	s4 =	sshll.u32 s26, $0x1;
	_ =	strace $0x80000046;
	[dreg:$0x1] =	wrdreg $0xFFFFFFFF  }
0xa7: {  	s28 =	simm.s32 $_size_execute0_lowered;
	s2 =	sadd.s32 s2, s4;
	[dreg:$0x0] =	wrdreg $0x0  }
0xa8: {  	s4 =	sshll.u32 s28, $0x1;
	[dreg:$0x2] =	wrdreg s2  }
0xa9: {  	[dreg:$0x3] =	wrdreg s4  }
0xaa: {  	[dreg:$0x4] =	wrdreg $0xC0  }
0xab: {  	_ =	task [dreg:s6], $0x5FFFF  }
0xac: {  	[dreg:$0x1] =	wrdreg $0xFFFFFFFF  }
0xad: {  	[dreg:$0x0] =	wrdreg $0x60  }
0xae: {  	[dreg:$0x2] =	wrdreg s24  }
0xaf: {  	[dreg:$0x3] =	wrdreg $0x5A000  }
0xb0: {  	[dreg:$0x4] =	wrdreg $0x5C780  }
0xb1: {  	[dreg:$0x5] =	wrdreg $0x5EF00  }
0xb2: {  	[dreg:$0x6] =	wrdreg $0x9  }
0xb3: {  	_ =	task.clear_ibuf [dreg:s6], $0x7FFFF;
	_ =	strace $0x90000046  }
0xb4: {  	s29 =	simm.s32 $0x9;
	_ =	strace $0x80000048  }
0xb5: {  	_ =	swait.ge [sflag:s29], $0x1  }
0xb6: {  	[sflag:s29] =	ssyncadd.s32 $0xFFFFFFFF  }
0xb7: {  	_ =	strace $0x90000048  }
0xb8: {  	_ =	sfence  }
0xb9: {  	s30 =	sld [smem:$0x0];
	_ =	sdelay $0x2  }
0xba: {  	s31 =	sshll.u32 s1, $0xD;
	s1 =	sshrl.u32 s1, $0x2  }
0xbb: {  	s3 =	sand.u32 $0x4000, s31;
	s1 =	sadd.s32 s1, s30  }
0xbc: {  	s0 =	sor.u32 s3, s0;
	s1 =	sshll.u32 s1, $0x11  }
0xbd: {  	s0 =	sor.u32 s1, s0  }
0xbe: {  	s0 =	sadd.s32 $0x8F2B, s0  }
0xbf: {  	[sflag:s0] =	ssyncadd.remote.s32 $0x1  }
0xc0: {  	_ =	sfence.sel $0xFFFF  }
0xc1: {  	[dreg:$0x0] =	wrdreg $0xFFFFFFFF;
	(pc) =	sbr.abs _section_cstart, $3  }
0xc2: {  	[dreg:$0x1] =	wrdreg $0xFFFFFFFF  }
0xc3: {  	_ =	task.clear_ibuf [dreg:s6], $0x2FFFF;
	_ =	strace $0x9FFFFFFF  }
0xc4: {  	(tm) =	ssettm $0x7FFFFFFF  }
0xc5: {  	_ =	shalt  }
tec
execute0_lowered:
.L_overlay_start_1:
0x0: {  	(tag) =	ssettag $0x1  }
0x1: {  	s4 =	rddreg [dreg:$0x0]  }
0x2: {  	s8 =	rddreg [dreg:$0x1]  }
0x3: {  	s9 =	rddreg [dreg:$0x2];
	s0 =	srdreg.scid  }
0x4: {  	s7 =	rddreg [dreg:$0x3];
	s1 =	stileid.u32  }
0x5: {  	s2 =	simm.s32 $0x0;
	s5 =	sand.u32 $0x1, s0;
	s0 =	rddreg [dreg:$0x4]  }
0x6: {  	s6 =	smul.u32 $0x15F90, s1;
	[smem:$0x7FF] =	sst s2  }
0x7: {  	s12 =	smul.u32 $0x57E40, s1;
	p0 =	seq.s32 s1, $0x0;
	s31 =	sshll.u32 s1, $0x6  }
0x8: {  	s3 =	smul.u32 $0x15F900, s5;
	_ =	strace $0x80000047;
	s5 =	ssub.s32 $0x2, s5  }
0x9: {  	s8 =	sshrl.u32 @p0 s8, $0x3;
	s9 =	sshrl.u32 @p0 s9, $0x3;
	s11 =	sshrl.u32 s5, $0x1  }
0xa: {  	s13 =	sadd.s32 s6, s7;
	s30 =	sshrl.u32 s12, $0x2;
	s10 =	sadd.s32 s6, s3  }
0xb: {  	s3 =	sadd.s32 $0xA600, s4;
	s11 =	ssub.s32 s5, s11;
	s7 =	sadd.s32 s30, s7  }
0xc: {  	s12 =	sshrl.u32 s13, $0x3;
	s13 =	simm.s32 $0x0;
	s10 =	sshrl.u32 s10, $0x3  }
0xd: {  	s6 =	smax.u32 s11, $0x1;
	s11 =	sor.u32 $0x1C01, s31;
	s10 =	sadd.s32 s10, s4  }
0xe: {  	v0 =	vimm.f32 $0.0e+00;
	s4 =	sadd.s32 $0xAC00, s4;
	s5 =	sadd.s32 $0x37200, s10;
	s10 =	simm.s32 $0x1  }
.LBB2_1:
0xf: {  	s14 =	simm.s32 @p0 $0x1C01;
	s15 =	simm.s32 @p0 $0x1  }
0x10: {  	[spmem:s8], [sflag:s14] =	dma.local @p0 [hbm:s3], $0x4E2  }
0x11: {  	_ =	swait.ge @p0 [sflag:s15], $0x4E2  }
0x12: {  	[sflag:s15] =	ssyncset.done @p0 $0x0  }
0x13: {  	[sflag:s15] =	ssyncadd.s32 @p0 $0xFFFFFB1E  }
0x14: {  	[spmem:s9], [sflag:s14] =	dma.local @p0 [hbm:s4], $0x4E2  }
0x15: {  	_ =	swait.ge @p0 [sflag:s15], $0x4E2  }
0x16: {  	[sflag:s15] =	ssyncset.done @p0 $0x0  }
0x17: {  	[sflag:s15] =	ssyncadd.s32 @p0 $0xFFFFFB1E  }
0x18: {  	s14 =	simm.s32 $0x1;
	s15 =	simm.s32 $0x0;
	[tilespmem:s2+$0x0] =	vst v0  }
.LBB2_2:
0x19: {  	p1 =	seq.s32 s14, $0xE0  }
.Ltmp0:
0x1a: {  	_ = 	snop;
	(pc) =	sbr.rel @!p1 .LBB2_2-.Ltmp0, $3  }
0x1b: {  	_ =	sdelay $0x1  }
0x1c: {  	s14 =	sadd.s32 $0x1, s14;
	s15 =	sadd.s32 $0x10, s15  }
0x1d: {  	[tilespmem:s15+$0x0] =	vst v0  }
0x1e: {  	s14 =	sadd.s32 $0x0, s7  }
0x1f: {  	[spmem:s14] =	stream.linear.scatter [tilespmem:s2], [sflag:$0x1], $0xE10, $0x38;
	[tilespmem:$0x1BE80] =	vst v63  }
0x20: {  	s14 =	simm.s32 $0x3840;
	_ =	swait.ge [sflag:s10], $0xE10  }
.LBB2_4:
0x21: {  	s15 =	sshra.s32 s14, $0x2;
	[sflag:s10] =	ssyncset.done $0x0;
	p1 =	sne.s32 s14, $0x54600  }
.Ltmp1:
0x22: {  	s15 =	sadd.s32 s15, s7;
	[sflag:s10] =	ssyncadd.s32 $0xFFFFF1F0;
	(pc) =	sbr.rel @p1 .LBB2_4-.Ltmp1, $3  }
0x23: {  	[spmem:s15] =	stream.linear.scatter [tilespmem:s2], [sflag:$0x1], $0xE10, $0x38;
	[tilespmem:$0x1BE80] =	vst v63  }
0x24: {  	s14 =	sadd.s32 $0x3840, s14;
	_ =	sdelay $0x1  }
0x25: {  	_ =	swait.ge [sflag:s10], $0xE10  }
0x26: {  	[sflag:s10] =	ssyncset.done $0x0  }
0x27: {  	s13 =	sadd.s32 $0x1, s13;
	[sflag:s10] =	ssyncadd.s32 $0xFFFFF1F0  }
0x28: {  	p1 =	sne.s32 s13, s6;
	[bflag:$0x0] =	sbarrier.arrive $0xFFFF  }
.Ltmp2:
0x29: {  	[bflag:$0x0] =	sbarrier.arrive $0xFFFF;
	(pc) =	sbr.rel @p1 .LBB2_1-.Ltmp2, $4  }
0x2a: {  	[hbm:s5], [sflag:s11] =	dma.local [spmem:s12], $0x2BF2  }
0x2b: {  	_ =	swait.ge [sflag:s10], $0x2BF2  }
0x2c: {  	[sflag:s10] =	ssyncset.done $0x0  }
0x2d: {  	[sflag:s10] =	ssyncadd.s32 $0xFFFFD40E  }
0x2e: {  	_ =	sfence.sel $0x180000  }
0x2f: {  	[bflag:$0x0] =	sbarrier.arrive $0xFFFF  }
0x30: {  	p0 =	sne.s32 s1, $0x0;
	_ =	strace $0x90000047  }
0x31: {  	s0 =	sadd.s32 @!p0 $0x100000, s0;
	[bflag:$0x2] =	sbarrier.arrive $0xFFFF  }
0x32: {  	[sflag:s0] =	ssyncadd.tile.s32 @!p0 $0x1;
	_ =	shalt  }
.Lfunc_end2:
_tile_overlayer_lowered:
.L_overlay_start_2:
0x33: {  	(tag) =	ssettag $0x2  }
0x34: {  	s0 =	rddreg [dreg:$0x0];
	s2 =	stileid.u32  }
0x35: {  	s1 =	rddreg [dreg:$0x1];
	p0 =	sne.s32 s2, $0x0  }
0x36: {  	s3 =	rddreg [dreg:$0x2];
	[bflag:$0x3] =	sbarrier.arrive $0xFFFF;
	s2 =	simm.s32 @!p0 $0x1C01  }
0x37: {  	[timem:s3], [sflag:s2] =	dma.local @!p0 [hbm:s0], s1  }
0x38: {  	s0 =	simm.s32 @!p0 $0x1  }
0x39: {  	_ =	swait.ge @!p0 [sflag:s0], s1  }
0x3a: {  	s1 =	ssub.s32 @!p0 $0x0, s1;
	[sflag:s0] =	ssyncset.done @!p0 $0x0  }
0x3b: {  	[sflag:s0] =	ssyncadd.s32 @!p0 s1  }
0x3c: {  	[bflag:$0x3] =	sbarrier.arrive $0xFFFF  }
0x3d: {  	_ =	shalt  }

</sc_bundles>
